<compile_context>
chip_gen: v7x
topology: tpu7x:2x2x1
jax: 0.10.2.dev20260603
libtpu: 0.0.44.dev20260713+nightly
codegen_flags: <defaults>
</compile_context>

<pallas_src>
import functools

import jax
import jax.numpy as jnp
from jax import lax
from jax.experimental import pallas as pl
from jax.experimental.pallas import tpu as pltpu
from jax.experimental.pallas import tpu_sc as plsc


def _sc_gather(t_n, ab_tab):
    n = t_n.shape[0]
    info = plsc.get_sparse_core_info()
    lanes = info.num_lanes
    ns = info.num_subcores
    nw = ns
    rpw = n // nw
    rows = rpw // 128
    ngroups = rpw // lanes
    gpr = 128 // lanes

    mesh = plsc.VectorSubcoreMesh(core_axis_name="c", subcore_axis_name="s",
                                  num_cores=1)

    @functools.partial(
        pl.kernel,
        mesh=mesh,
        compiler_params=pltpu.CompilerParams(needs_layout_passes=False),
        out_type=jax.ShapeDtypeStruct((n // 128, 128), jnp.float32),
        scratch_types=[
            pltpu.VMEM((rpw,), jnp.int32),
            pltpu.VMEM(ab_tab.shape, jnp.float32),
            pltpu.VMEM((rows, 128), jnp.float32),
            pltpu.SemaphoreType.DMA,
            pltpu.SemaphoreType.DMA,
        ],
    )
    def run(t_h, tab_h, out_h, t_v, tab_v, val_v, s0, s1):
        wid = lax.axis_index("s")
        base = wid * rpw
        h0 = pltpu.async_copy(t_h.at[pl.ds(base, rpw)], t_v, s0)
        h1 = pltpu.async_copy(tab_h, tab_v, s1)
        h0.wait()
        h1.wait()

        @plsc.parallel_loop(0, ngroups, unroll=4)
        def _group(g):
            tb = t_v[pl.ds(g * lanes, lanes)]
            val_v[g // gpr, pl.ds((g % gpr) * lanes, lanes)] = (
                plsc.load_gather(tab_v, [tb]))

        pltpu.sync_copy(val_v, out_h.at[pl.ds(wid * rows, rows)])

    return run(t_n, ab_tab)


def _tc_scale_add(ab2, z0, noise):
    n, k = z0.shape
    blk = 8192
    g = blk // 128

    def body(ab_ref, z0_ref, nz_ref, o_ref, nc_ref):
        ab = ab_ref[...]
        a = jnp.sqrt(ab)
        b = jnp.sqrt(jnp.maximum(1.0 - ab, 0.0))
        a_f = lax.broadcast_in_dim(a, (g, 128, k), (0, 1)).reshape(blk, k)
        b_f = lax.broadcast_in_dim(b, (g, 128, k), (0, 1)).reshape(blk, k)
        nz = nz_ref[...]
        o_ref[...] = a_f * z0_ref[...] + b_f * nz
        nc_ref[...] = nz

    return pl.pallas_call(
        body,
        grid=(n // blk,),
        in_specs=[
            pl.BlockSpec((g, 128), lambda i: (i, 0)),
            pl.BlockSpec((blk, k), lambda i: (i, 0)),
            pl.BlockSpec((blk, k), lambda i: (i, 0)),
        ],
        out_specs=[pl.BlockSpec((blk, k), lambda i: (i, 0)),
                   pl.BlockSpec((blk, k), lambda i: (i, 0))],
        out_shape=[jax.ShapeDtypeStruct((n, k), jnp.float32),
                   jax.ShapeDtypeStruct((n, k), jnp.float32)],
    )(ab2, z0, noise)


def kernel(z0_nk, t_n, noise, alpha_bar):
    ab2 = _sc_gather(t_n.astype(jnp.int32), alpha_bar.astype(jnp.float32))
    z_t, noise_out = _tc_scale_add(ab2, z0_nk, noise)
    return (z_t, noise_out)

# --- scband reference (transcript-rebuilt; emitter-appended) ---
"""Pipeline reference for scband-gaussian-diffusion-84782654423594 (READ-ONLY COPY).

The authoritative reference and input builder live on the scoring server;
editing this copy changes nothing except your own understanding.
"""

import jax, jax.numpy as jnp
import numpy as np


def setup_inputs(seed: int = 0) -> dict:
    key = jax.random.key(seed)
    k1, k2, k3 = jax.random.split(key, 3)
    T = 1000
    beta_start = 0.0001
    beta_end = 0.02
    betas = jnp.linspace(beta_start, beta_end, T, dtype=jnp.float32)
    alphas = 1.0 - betas
    alpha_bar = jnp.cumprod(alphas, axis=0)
    n, K = 16384, 128
    z0_nk = jax.random.normal(k1, (n, K), dtype=jnp.float32)
    t_n = jax.random.randint(k2, (n,), 0, T, dtype=jnp.int32)
    noise = jax.random.normal(k3, (n, K), dtype=jnp.float32)
    return {"z0_nk": z0_nk, "t_n": t_n, "noise": noise, "alpha_bar": alpha_bar}


def reference(z0_nk, t_n, noise, alpha_bar):
    # q_sample: z_t = sqrt(alpha_bar_t) * z0 + sqrt(1 - alpha_bar_t) * eps
    ab = jnp.take(alpha_bar, t_n, axis=0).astype(jnp.float32)[:, None]
    z_t_nk = jnp.sqrt(ab) * z0_nk + jnp.sqrt(1.0 - ab) * noise
    return (z_t_nk, noise)

if __name__ == "__main__":
    import jax
    _d = setup_inputs()
    print(jax.jit(kernel)(*tuple(_d.values())))

</pallas_src>

<mosaic_0001>
#map = affine_map<(d0, d1) -> (0)>
#map1 = affine_map<(d0, d1) -> (0, 0)>
module attributes {stable_mosaic.version = 14 : i64} {
  func.func @run(%arg0: i32, %arg1: i32, %arg2: memref<16384xi32, #tpu.memory_space<hbm>>, %arg3: memref<1000xf32, #tpu.memory_space<hbm>>, %arg4: memref<128x128xf32, #tpu.memory_space<hbm>>, %arg5: memref<1024xi32, #tpu.memory_space<vmem>>, %arg6: memref<1000xf32, #tpu.memory_space<vmem>>, %arg7: memref<8x128xf32, #tpu.memory_space<vmem>>, %arg8: memref<!tpu.dma_semaphore, #tpu.memory_space<semaphore_mem>>, %arg9: memref<!tpu.dma_semaphore, #tpu.memory_space<semaphore_mem>>) attributes {dimension_semantics = [#tpu.dimension_semantics<core_parallel>, #tpu.dimension_semantics<subcore_parallel>], iteration_bounds = array<i64: 1, 16>, scalar_prefetch = 0 : i64, scratch_operands = 5 : i64, tpu.core_type = #tpu.core_type<sc_vector_subcore>, window_params = [{transform_indices = #map}, {transform_indices = #map}, {transform_indices = #map1}]} {
    %mul3A = arith.constant 1024 : i32
    %mul3A_0 = arith.muli %arg1, %mul3A : i32
    %dma_start3A = tpu.memref_slice %arg2[%mul3A_0] : memref<16384xi32, #tpu.memory_space<hbm>> -> memref<1024xi32, #tpu.memory_space<hbm>>
    %dma_start3A_1 = tpu.memref_slice %arg2[%mul3A_0] : memref<16384xi32, #tpu.memory_space<hbm>> -> memref<1024xi32, #tpu.memory_space<hbm>>
    tpu.enqueue_dma source(%dma_start3A_1 : memref<1024xi32, #tpu.memory_space<hbm>>) target(%arg5 : memref<1024xi32, #tpu.memory_space<vmem>>) target_semaphore(%arg8 : memref<!tpu.dma_semaphore, #tpu.memory_space<semaphore_mem>>)
    tpu.enqueue_dma source(%arg3 : memref<1000xf32, #tpu.memory_space<hbm>>) target(%arg6 : memref<1000xf32, #tpu.memory_space<vmem>>) target_semaphore(%arg9 : memref<!tpu.dma_semaphore, #tpu.memory_space<semaphore_mem>>)
    %dma_wait3A = tpu.memref_slice %arg2[%mul3A_0] : memref<16384xi32, #tpu.memory_space<hbm>> -> memref<1024xi32, #tpu.memory_space<hbm>>
    %dma_wait3A_2 = tpu.memref_slice %arg2[%mul3A_0] : memref<16384xi32, #tpu.memory_space<hbm>> -> memref<1024xi32, #tpu.memory_space<hbm>>
    tpu.wait_dma2 semaphore(%arg8 : memref<!tpu.dma_semaphore, #tpu.memory_space<semaphore_mem>>) src(%dma_wait3A_2 : memref<1024xi32, #tpu.memory_space<hbm>>) dst(%arg5 : memref<1024xi32, #tpu.memory_space<vmem>>)
    tpu.wait_dma2 semaphore(%arg9 : memref<!tpu.dma_semaphore, #tpu.memory_space<semaphore_mem>>) src(%arg3 : memref<1000xf32, #tpu.memory_space<hbm>>) dst(%arg6 : memref<1000xf32, #tpu.memory_space<vmem>>)
    %parallel_loop3A = arith.constant 0 : i32
    %parallel_loop3A_3 = arith.constant 64 : i32
    %parallel_loop3A_4 = arith.constant 1 : i32
    scf.for %parallel_loop3A_7 = %parallel_loop3A to %parallel_loop3A_3 step %parallel_loop3A_4  : i32 {
      %parallel_loop3A_8 = arith.constant 16 : i32
      %parallel_loop3A_9 = arith.muli %parallel_loop3A_7, %parallel_loop3A_8 : i32
      %parallel_loop3A_10 = arith.index_cast %parallel_loop3A_9 : i32 to index
      %parallel_loop3A_11 = tpu.vector_load %arg5[%parallel_loop3A_10] {strides = array<i32>} : memref<1024xi32, #tpu.memory_space<vmem>>, vector<16xi32>,
      %parallel_loop3A_12 = tpu.vector_load_idx %arg6[%parallel_loop3A_11] : memref<1000xf32, #tpu.memory_space<vmem>>[vector<16xi32>], vector<16xf32>,
      %parallel_loop3A_13 = arith.constant 8 : i32
      %parallel_loop3A_14 = arith.divsi %parallel_loop3A_7, %parallel_loop3A_13 : i32
      %parallel_loop3A_15 = arith.constant 0 : i32
      %parallel_loop3A_16 = arith.cmpi sgt, %parallel_loop3A_7, %parallel_loop3A_15 : i32
      %parallel_loop3A_17 = arith.extui %parallel_loop3A_16 : i1 to i32
      %parallel_loop3A_18 = arith.constant 0 : i32
      %parallel_loop3A_19 = arith.cmpi slt, %parallel_loop3A_7, %parallel_loop3A_18 : i32
      %parallel_loop3A_20 = arith.extui %parallel_loop3A_19 : i1 to i32
      %parallel_loop3A_21 = arith.subi %parallel_loop3A_17, %parallel_loop3A_20 : i32
      %parallel_loop3A_22 = arith.constant 0 : i32
      %parallel_loop3A_23 = arith.cmpi sgt, %parallel_loop3A_13, %parallel_loop3A_22 : i32
      %parallel_loop3A_24 = arith.extui %parallel_loop3A_23 : i1 to i32
      %parallel_loop3A_25 = arith.constant 0 : i32
      %parallel_loop3A_26 = arith.cmpi slt, %parallel_loop3A_13, %parallel_loop3A_25 : i32
      %parallel_loop3A_27 = arith.extui %parallel_loop3A_26 : i1 to i32
      %parallel_loop3A_28 = arith.subi %parallel_loop3A_24, %parallel_loop3A_27 : i32
      %parallel_loop3A_29 = arith.cmpi ne, %parallel_loop3A_21, %parallel_loop3A_28 : i32
      %parallel_loop3A_30 = arith.remsi %parallel_loop3A_7, %parallel_loop3A_13 : i32
      %parallel_loop3A_31 = arith.constant 0 : i32
      %parallel_loop3A_32 = arith.cmpi ne, %parallel_loop3A_30, %parallel_loop3A_31 : i32
      %parallel_loop3A_33 = arith.andi %parallel_loop3A_29, %parallel_loop3A_32 : i1
      %parallel_loop3A_34 = arith.constant 1 : i32
      %parallel_loop3A_35 = arith.subi %parallel_loop3A_14, %parallel_loop3A_34 : i32
      %parallel_loop3A_36 = arith.select %parallel_loop3A_33, %parallel_loop3A_35, %parallel_loop3A_14 : i32
      %parallel_loop3A_37 = arith.constant 8 : i32
      %parallel_loop3A_38 = arith.constant 0 : i32
      %parallel_loop3A_39 = arith.cmpi eq, %parallel_loop3A_37, %parallel_loop3A_38 : i32
      %parallel_loop3A_40 = arith.constant 1 : i32
      %parallel_loop3A_41 = arith.select %parallel_loop3A_39, %parallel_loop3A_40, %parallel_loop3A_37 : i32
      %parallel_loop3A_42 = arith.remsi %parallel_loop3A_7, %parallel_loop3A_41 : i32
      %parallel_loop3A_43 = arith.constant 0 : i32
      %parallel_loop3A_44 = arith.cmpi ne, %parallel_loop3A_42, %parallel_loop3A_43 : i32
      %parallel_loop3A_45 = arith.constant 0 : i32
      %parallel_loop3A_46 = arith.cmpi slt, %parallel_loop3A_42, %parallel_loop3A_45 : i32
      %parallel_loop3A_47 = arith.constant 0 : i32
      %parallel_loop3A_48 = arith.cmpi slt, %parallel_loop3A_41, %parallel_loop3A_47 : i32
      %parallel_loop3A_49 = arith.xori %parallel_loop3A_46, %parallel_loop3A_48 : i1
      %parallel_loop3A_50 = arith.andi %parallel_loop3A_49, %parallel_loop3A_44 : i1
      %parallel_loop3A_51 = arith.addi %parallel_loop3A_42, %parallel_loop3A_41 : i32
      %parallel_loop3A_52 = arith.select %parallel_loop3A_50, %parallel_loop3A_51, %parallel_loop3A_42 : i32
      %parallel_loop3A_53 = arith.constant 16 : i32
      %parallel_loop3A_54 = arith.muli %parallel_loop3A_52, %parallel_loop3A_53 : i32
      %parallel_loop3A_55 = arith.index_cast %parallel_loop3A_36 : i32 to index
      %parallel_loop3A_56 = arith.index_cast %parallel_loop3A_54 : i32 to index
      %parallel_loop3A_57 = tpu.vector_load %arg7[%parallel_loop3A_55, %parallel_loop3A_56] {strides = array<i32>} : memref<8x128xf32, #tpu.memory_space<vmem>>, vector<16xf32>,
      tpu.vector_store %arg7[%parallel_loop3A_55, %parallel_loop3A_56], %parallel_loop3A_12 {strides = array<i32>} : memref<8x128xf32, #tpu.memory_space<vmem>>, vector<16xf32>,
    } {sc.loop_unroll_factor = 4 : i64, sc.parallel_access}
    %mul3A_5 = arith.constant 8 : i32
    %mul3A_6 = arith.muli %arg1, %mul3A_5 : i32
    "tpu.region"() ({
      %run_scoped3A = tpu.sem_alloc : memref<!tpu.dma_semaphore, #tpu.memory_space<semaphore_mem>>
      %dma_start3A_7 = arith.constant 0 : i32
      %dma_start3A_8 = tpu.memref_slice %arg4[%mul3A_6, %dma_start3A_7] : memref<128x128xf32, #tpu.memory_space<hbm>> -> memref<8x128xf32, #tpu.memory_space<hbm>>
      %dma_start3A_9 = arith.constant 0 : i32
      %dma_start3A_10 = tpu.memref_slice %arg4[%mul3A_6, %dma_start3A_9] : memref<128x128xf32, #tpu.memory_space<hbm>> -> memref<8x128xf32, #tpu.memory_space<hbm>>
      tpu.enqueue_dma source(%arg7 : memref<8x128xf32, #tpu.memory_space<vmem>>) target(%dma_start3A_10 : memref<8x128xf32, #tpu.memory_space<hbm>>) target_semaphore(%run_scoped3A : memref<!tpu.dma_semaphore, #tpu.memory_space<semaphore_mem>>)
      %dma_wait3A_11 = arith.constant 0 : i32
      %dma_wait3A_12 = tpu.memref_slice %arg4[%mul3A_6, %dma_wait3A_11] : memref<128x128xf32, #tpu.memory_space<hbm>> -> memref<8x128xf32, #tpu.memory_space<hbm>>
      %dma_wait3A_13 = arith.constant 0 : i32
      %dma_wait3A_14 = tpu.memref_slice %arg4[%mul3A_6, %dma_wait3A_13] : memref<128x128xf32, #tpu.memory_space<hbm>> -> memref<8x128xf32, #tpu.memory_space<hbm>>
      tpu.wait_dma2 semaphore(%run_scoped3A : memref<!tpu.dma_semaphore, #tpu.memory_space<semaphore_mem>>) src(%arg7 : memref<8x128xf32, #tpu.memory_space<vmem>>) dst(%dma_wait3A_14 : memref<8x128xf32, #tpu.memory_space<hbm>>)
      tpu.yield
    }) : () -> ()
    return
  }
}

module attributes {stable_mosaic.version = 14 : i64} {
  func.func @body(%arg0: i32, %arg1: memref<64x128xf32, #tpu.memory_space<vmem>>, %arg2: memref<8192x128xf32, #tpu.memory_space<vmem>>, %arg3: memref<8192x128xf32, #tpu.memory_space<vmem>>, %arg4: memref<8192x128xf32, #tpu.memory_space<vmem>>, %arg5: memref<8192x128xf32, #tpu.memory_space<vmem>>) attributes {dimension_semantics = [#tpu.dimension_semantics<arbitrary>], iteration_bounds = array<i64: 2>, scalar_prefetch = 0 : i64, scratch_operands = 0 : i64, tpu.core_type = #tpu.core_type<tc>, window_params = [{transform_indices = @transform_0, window_bounds = array<i64: 64, 128>}, {transform_indices = @transform_1, window_bounds = array<i64: 8192, 128>}, {transform_indices = @transform_2, window_bounds = array<i64: 8192, 128>}, {transform_indices = @transform_3, window_bounds = array<i64: 8192, 128>}, {transform_indices = @transform_4, window_bounds = array<i64: 8192, 128>}]} {
    %get3A = arith.constant 0 : index
    %get3A_0 = arith.constant 0 : index
    %get3A_1 = vector.load %arg1[%get3A, %get3A_0] : memref<64x128xf32, #tpu.memory_space<vmem>>, vector<64x128xf32>
    %sqrt3A = math.sqrt %get3A_1 : vector<64x128xf32>
    %sub3A = arith.constant 1.000000e+00 : f32
    %sub3A_2 = vector.broadcast %sub3A : f32 to vector<64x128xf32>
    %sub3A_3 = arith.subf %sub3A_2, %get3A_1 : vector<64x128xf32>
    %max3A = arith.constant 0.000000e+00 : f32
    %max3A_4 = vector.broadcast %max3A : f32 to vector<64x128xf32>
    %max3A_5 = arith.maximumf %sub3A_3, %max3A_4 : vector<64x128xf32>
    %sqrt3A_6 = math.sqrt %max3A_5 : vector<64x128xf32>
    %broadcast_in_dim3A = vector.shape_cast %sqrt3A : vector<64x128xf32> to vector<64x128x1xf32>
    %broadcast_in_dim3A_7 = vector.broadcast %broadcast_in_dim3A : vector<64x128x1xf32> to vector<64x128x128xf32>
    %reshape3A = vector.shape_cast %broadcast_in_dim3A_7 : vector<64x128x128xf32> to vector<8192x128xf32>
    %broadcast_in_dim3A_8 = vector.shape_cast %sqrt3A_6 : vector<64x128xf32> to vector<64x128x1xf32>
    %broadcast_in_dim3A_9 = vector.broadcast %broadcast_in_dim3A_8 : vector<64x128x1xf32> to vector<64x128x128xf32>
    %reshape3A_10 = vector.shape_cast %broadcast_in_dim3A_9 : vector<64x128x128xf32> to vector<8192x128xf32>
    %get3A_11 = arith.constant 0 : index
    %get3A_12 = arith.constant 0 : index
    %get3A_13 = vector.load %arg3[%get3A_11, %get3A_12] : memref<8192x128xf32, #tpu.memory_space<vmem>>, vector<8192x128xf32>
    %get3A_14 = arith.constant 0 : index
    %get3A_15 = arith.constant 0 : index
    %get3A_16 = vector.load %arg2[%get3A_14, %get3A_15] : memref<8192x128xf32, #tpu.memory_space<vmem>>, vector<8192x128xf32>
    %mul3A = arith.mulf %reshape3A, %get3A_16 : vector<8192x128xf32>
    %mul3A_17 = arith.mulf %reshape3A_10, %get3A_13 : vector<8192x128xf32>
    %add3A = arith.addf %mul3A, %mul3A_17 : vector<8192x128xf32>
    %swap3A = arith.constant 0 : index
    %swap3A_18 = arith.constant 0 : index
    %swap3A_19 = vector.load %arg4[%swap3A, %swap3A_18] : memref<8192x128xf32, #tpu.memory_space<vmem>>, vector<8192x128xf32>
    tpu.vector_store %arg4[%swap3A, %swap3A_18], %add3A {strides = array<i32>} : memref<8192x128xf32, #tpu.memory_space<vmem>>, vector<8192x128xf32>,
    %swap3A_20 = arith.constant 0 : index
    %swap3A_21 = arith.constant 0 : index
    %swap3A_22 = vector.load %arg5[%swap3A_20, %swap3A_21] : memref<8192x128xf32, #tpu.memory_space<vmem>>, vector<8192x128xf32>
    tpu.vector_store %arg5[%swap3A_20, %swap3A_21], %get3A_13 {strides = array<i32>} : memref<8192x128xf32, #tpu.memory_space<vmem>>, vector<8192x128xf32>,
    return
  }
  func.func @transform_0(%arg0: i32) -> (i32, i32) {
    %c0_i32 = arith.constant 0 : i32
    %c0_i32_0 = arith.constant 0 : i32
    return %arg0, %c0_i32 : i32, i32
  }
  func.func @transform_1(%arg0: i32) -> (i32, i32) {
    %c0_i32 = arith.constant 0 : i32
    %c0_i32_0 = arith.constant 0 : i32
    return %arg0, %c0_i32 : i32, i32
  }
  func.func @transform_2(%arg0: i32) -> (i32, i32) {
    %c0_i32 = arith.constant 0 : i32
    %c0_i32_0 = arith.constant 0 : i32
    return %arg0, %c0_i32 : i32, i32
  }
  func.func @transform_3(%arg0: i32) -> (i32, i32) {
    %c0_i32 = arith.constant 0 : i32
    %c0_i32_0 = arith.constant 0 : i32
    return %arg0, %c0_i32 : i32, i32
  }
  func.func @transform_4(%arg0: i32) -> (i32, i32) {
    %c0_i32 = arith.constant 0 : i32
    %c0_i32_0 = arith.constant 0 : i32
    return %arg0, %c0_i32 : i32, i32
  }
}

</mosaic_0001>

<sc_bundles>
// kernel: kernel.4.cloned.1.call-start
scs
__scs_entry_jumppad:
0x0: {  	(pc) =	sbr.rel $0x88, $3  }
0x1: {  	(tag) =	ssettag $0x0;
	lr =	simm.s32 $0x1  }
0x2: {  	[smem:$0x3F9D] =	sst lr;
	_ =	strace $0xD0000000  }
0x3: {  	_ = 	snop  }
0x4: {  	_ = 	snop  }
0x5: {  	_ = 	snop  }
0x6: {  	_ = 	snop  }
0x7: {  	_ = 	snop  }
__scs_overlays_trampoline_lowered:
0x8: {  	[smem:$0x3FAC] =	sst s0  }
0x9: {  	[smem:$0x3FAD] =	sst s1  }
0xa: {  	[smem:$0x3FAE] =	sst s2  }
0xb: {  	[smem:$0x3FAF] =	sst s3  }
0xc: {  	[smem:$0x3FB0] =	sst s4  }
0xd: {  	[smem:$0x3FB1] =	sst s5  }
0xe: {  	[smem:$0x3FB2] =	sst s6  }
0xf: {  	[smem:$0x3FB3] =	sst s7  }
0x10: {  	[smem:$0x3FB4] =	sst s8  }
0x11: {  	[smem:$0x3FB5] =	sst s9;
	s0 =	simm.s32 @!p0 $0x0  }
0x12: {  	s1 =	sld [smem:$0x3F9B];
	s0 =	simm.s32 @p0 $0x1  }
0x13: {  	[smem:$0x3FB6] =	sst s0;
	s0 =	simm.s32 @!p1 $0x0  }
0x14: {  	s2 =	sld [smem:$0x3F9A];
	s0 =	simm.s32 @p1 $0x1  }
0x15: {  	[smem:$0x3FB7] =	sst s0;
	s0 =	simm.s32 @!p2 $0x0  }
0x16: {  	s3 =	sld [smem:$0x3FDB];
	s0 =	simm.s32 @p2 $0x1  }
0x17: {  	s4 =	simm.s32 $0x1BF5;
	[smem:$0x3FB9] =	sst s0  }
0x18: {  	s0 =	sld [smem:$0x3F9C];
	_ =	swait.ge [sflag:s4], $0x0  }
0x19: {  	s7 =	sld [smem:$0x3F9D]  }
0x1a: {  	s8 =	sadd.s32 $0xFFFFE003, lr  }
0x1b: {  	s9 =	sadd.s32 $0xFFFFFEF7, lr;
	s5 =	simm.s32 $0xFFFFFFFF;
	p2 =	slt.u32 s8, $0xFFFFF086  }
0x1c: {  	p1 =	slt.u32 s9, $0xF7A;
	s5 =	simm.s32 @!p2 $0x0  }
0x1d: {  	s5 =	simm.s32 @p1 $0x1;
	p0 =	seq.s32 s7, s2  }
0x1e: {  	s7 =	smul.u32 @!p0 $0xF7A, s2;
	p2 =	seq.s32 @!p0 s5, $0x0  }
0x1f: {  	s9 =	smul.u32 $0xF7A, s1;
	s8 =	simm.s32 @!p0 $0x1BF5;
	p2 =	por !p2, p0  }
0x20: {  	[sflag:s8] =	ssyncset.s32 @!p0 $0xFFFFF086;
	s6 =	sadd.s32 @!p0 s3, s7;
	s7 =	simm.s32 @!p0 $0x108  }
0x21: {  	s3 =	sadd.s32 s3, s9;
	s6 =	sadd.s32 @!p0 $0x88, s6;
	s7 =	simm.s32 @p2 $0x1082  }
0x22: {  	[simem:s7], [sflag:s8] =	dma.local @!p0 [hbm:s6], $0xF7A  }
0x23: {  	s9 =	sor.u32 $0xD0000000, s2;
	s6 =	simm.s32 $0x108;
	_ =	swait.ge @!p0 [sflag:s8], $0x0  }
0x24: {  	s3 =	sadd.s32 $0x88, s3;
	s6 =	simm.s32 @!p1 $0x1082;
	[sflag:s4] =	ssyncset.s32 $0xFFFFF086  }
0x25: {  	[simem:s6], [sflag:s4] =	dma.local [hbm:s3], $0xF7A  }
0x26: {  	[smem:$0x3F9D] =	sst s1;
	(tag) =	ssettag s2;
	_ =	strace s9  }
0x27: {  	s1 =	sld [smem:$0x3FAD]  }
0x28: {  	s2 =	sld [smem:$0x3FAE]  }
0x29: {  	s4 =	sld [smem:$0x3FB0]  }
0x2a: {  	p0 =	seq.s32 s5, $0x0;
	s5 =	sld [smem:$0x3FB1]  }
0x2b: {  	s6 =	sld [smem:$0x3FB2]  }
0x2c: {  	s7 =	sld [smem:$0x3FB3]  }
0x2d: {  	s3 =	simm.s32 $0x108;
	s8 =	sld [smem:$0x3FB4]  }
0x2e: {  	s3 =	simm.s32 @!p0 $0x1082;
	s9 =	sld [smem:$0x3FB5]  }
0x2f: {  	lr =	sadd.s32 s0, s3;
	s0 =	sld [smem:$0x3FAC]  }
0x30: {  	s3 =	sld [smem:$0x3FAF]  }
0x31: {  	[smem:$0x3FB8] =	sst s10  }
0x32: {  	s10 =	sld [smem:$0x3FB6];
	_ =	sdelay $0x3  }
0x33: {  	p0 =	seq.s32 s10, $0x1;
	s10 =	sld [smem:$0x3FB8];
	_ =	sdelay $0x3  }
0x34: {  	[smem:$0x3FB8] =	sst s10  }
0x35: {  	s10 =	sld [smem:$0x3FB7];
	_ =	sdelay $0x3  }
0x36: {  	p1 =	seq.s32 s10, $0x1;
	s10 =	sld [smem:$0x3FB8];
	_ =	sdelay $0x3  }
0x37: {  	[smem:$0x3FB8] =	sst s10  }
0x38: {  	s10 =	sld [smem:$0x3FB9]  }
0x39: {  	_ = 	snop;
	(pc) =	sbr.ind lr, $3  }
0x3a: {  	_ = 	snop  }
0x3b: {  	_ = 	snop  }
0x3c: {  	p2 =	seq.s32 s10, $0x1;
	s10 =	sld [smem:$0x3FB8]  }
0x3d: {  	_ =	shalt  }
0x3e: {  	_ =	shalt  }
0x3f: {  	_ =	shalt  }
0x40: {  	_ =	shalt  }
0x41: {  	_ =	shalt  }
0x42: {  	_ =	shalt  }
0x43: {  	_ =	shalt  }
0x44: {  	_ =	shalt  }
0x45: {  	_ =	shalt  }
0x46: {  	_ =	shalt  }
0x47: {  	_ =	shalt  }
0x48: {  	_ =	shalt  }
0x49: {  	_ =	shalt  }
0x4a: {  	_ =	shalt  }
0x4b: {  	_ =	shalt  }
0x4c: {  	_ =	shalt  }
0x4d: {  	_ =	shalt  }
0x4e: {  	_ =	shalt  }
0x4f: {  	_ =	shalt  }
0x50: {  	_ =	shalt  }
0x51: {  	_ =	shalt  }
0x52: {  	_ =	shalt  }
0x53: {  	_ =	shalt  }
0x54: {  	_ =	shalt  }
0x55: {  	_ =	shalt  }
0x56: {  	_ =	shalt  }
0x57: {  	_ =	shalt  }
0x58: {  	_ =	shalt  }
0x59: {  	_ =	shalt  }
0x5a: {  	_ =	shalt  }
0x5b: {  	_ =	shalt  }
0x5c: {  	_ =	shalt  }
0x5d: {  	_ =	shalt  }
0x5e: {  	_ =	shalt  }
0x5f: {  	_ =	shalt  }
0x60: {  	_ =	shalt  }
0x61: {  	_ =	shalt  }
0x62: {  	_ =	shalt  }
0x63: {  	_ =	shalt  }
0x64: {  	_ =	shalt  }
0x65: {  	_ =	shalt  }
0x66: {  	_ =	shalt  }
0x67: {  	_ =	shalt  }
0x68: {  	_ =	shalt  }
0x69: {  	_ =	shalt  }
0x6a: {  	_ =	shalt  }
0x6b: {  	_ =	shalt  }
0x6c: {  	_ =	shalt  }
0x6d: {  	_ =	shalt  }
0x6e: {  	_ =	shalt  }
0x6f: {  	_ =	shalt  }
0x70: {  	_ =	shalt  }
0x71: {  	_ =	shalt  }
0x72: {  	_ =	shalt  }
0x73: {  	_ =	shalt  }
0x74: {  	_ =	shalt  }
0x75: {  	_ =	shalt  }
0x76: {  	_ =	shalt  }
0x77: {  	_ =	shalt  }
0x78: {  	_ =	shalt  }
0x79: {  	_ =	shalt  }
0x7a: {  	_ =	shalt  }
0x7b: {  	_ =	shalt  }
0x7c: {  	_ =	shalt  }
0x7d: {  	_ =	shalt  }
0x7e: {  	_ =	shalt  }
0x7f: {  	_ =	shalt  }
0x80: {  	_ =	shalt  }
0x81: {  	_ =	shalt  }
0x82: {  	_ =	shalt  }
0x83: {  	_ =	shalt  }
0x84: {  	_ =	shalt  }
0x85: {  	_ =	shalt  }
0x86: {  	_ =	shalt  }
0x87: {  	_ =	shalt  }
.Lfunc_end0:
.L_simem_size_0:
called_computation_lowered:
.L_overlay_start_0:
0x88: {  	s0 =	sld [smem:$0x3FD9]  }
0x89: {  	s1 =	sld [smem:$0x3FFE];
	_ =	sdelay $0x3  }
0x8a: {  	s0 =	sadd.s32 s1, s0  }
0x8b: {  	[smem:$0x3FC4] =	sst s0  }
0x8c: {  	_ = 	snop  }
0x8d: {  	s0 =	sld [smem:$0x3FD0];
	_ =	sdelay $0x1  }
0x8e: {  	s14 =	sld [smem:$0x3FC8]  }
0x8f: {  	s3 =	simm.s32 $0xA;
	s4 =	simm.s32 $0x10;
	s2 =	sld [smem:$0x3FC6]  }
0x90: {  	[smem:s4], [sflag:s3] =	dma.local [hbm:s0], $0x1  }
0x91: {  	_ =	swait.eq [sflag:s3], $0x1  }
0x92: {  	[sflag:s3] =	ssyncset.done $0x0  }
0x93: {  	[sflag:s3] =	ssyncadd.s32 $0xFFFFFFFF  }
0x94: {  	s15 =	sld [smem:$0x11];
	(tm) =	ssettm $0x1  }
0x95: {  	s16 =	sld [smem:$0x3FFB];
	_ =	sdelay $0x3  }
0x96: {  	_ =	strace s16  }
0x97: {  	s3 =	sld [smem:$0x3FFC];
	_ =	sdelay $0x3  }
0x98: {  	_ =	strace s3  }
0x99: {  	s3 =	sld [smem:$0x3FFD];
	_ =	sdelay $0x3  }
0x9a: {  	_ =	strace s3  }
0x9b: {  	_ =	strace $0x8FFFFFFF  }
0x9c: {  	s17 =	sld [smem:$0x3FDB];
	_ =	sdelay $0x1  }
0x9d: {  	s18 =	simm.s32 $_scs_section_size  }
0x9e: {  	s5 =	simm.s32 $_size__tile_overlayer_lowered;
	s6 =	simm.s32 $_tile_overlayer_lowered  }
0x9f: {  	s21 =	simm.s32 $0x1BFF;
	s20 =	sshll.u32 s6, $0x1;
	s3 =	sadd.s32 s18, s17  }
0xa0: {  	s7 =	simm.s32 $0x0;
	s19 =	sshll.u32 s5, $0x1;
	s5 =	sadd.s32 s20, s3  }
0xa1: {  	[timem:s7], [sflag:s21] =	dma.local [hbm:s5], s19  }
0xa2: {  	_ =	swait.ge [sflag:s21], s19  }
0xa3: {  	s4 =	ssub.s32 $0x0, s19;
	[sflag:s21] =	ssyncset.done $0x0  }
0xa4: {  	[sflag:s21] =	ssyncadd.s32 s4;
	_ =	sdelay $0x1  }
0xa5: {  	s22 =	simm.s32 $0x1B8B  }
0xa6: {  	_ =	swait.ge [sflag:s22], $0x1  }
0xa7: {  	[sflag:s22] =	ssyncset.done $0x0  }
0xa8: {  	s23 =	simm.s32 $0x1B8E;
	[sflag:s22] =	ssyncadd.s32 $0xFFFFFFFF  }
0xa9: {  	s24 =	simm.s32 $execute0_lowered;
	[smem:$0x3FD2] =	sst s23  }
0xaa: {  	s4 =	sshll.u32 s24, $0x1;
	_ =	strace $0x80000046;
	[dreg:$0x1] =	wrdreg $0xFFFFFFFF  }
0xab: {  	s25 =	simm.s32 $_size_execute0_lowered;
	s3 =	sadd.s32 s3, s4;
	[dreg:$0x0] =	wrdreg $0x0  }
0xac: {  	s4 =	sshll.u32 s25, $0x1;
	[dreg:$0x2] =	wrdreg s3  }
0xad: {  	[dreg:$0x3] =	wrdreg s4  }
0xae: {  	[dreg:$0x4] =	wrdreg $0xC0  }
0xaf: {  	_ =	task [dreg:s7], $0x5FFFF  }
0xb0: {  	[dreg:$0x1] =	wrdreg $0xFFFFFFFF  }
0xb1: {  	[dreg:$0x0] =	wrdreg $0x60  }
0xb2: {  	[dreg:$0x2] =	wrdreg s14  }
0xb3: {  	[dreg:$0x3] =	wrdreg s2  }
0xb4: {  	[dreg:$0x4] =	wrdreg s15  }
0xb5: {  	[dreg:$0x5] =	wrdreg $0x9  }
0xb6: {  	_ =	task.clear_ibuf [dreg:s7], $0x6FFFF;
	_ =	strace $0x90000046  }
0xb7: {  	s26 =	simm.s32 $0x9;
	_ =	strace $0x80000048  }
0xb8: {  	_ =	swait.ge [sflag:s26], $0x1  }
0xb9: {  	[sflag:s26] =	ssyncadd.s32 $0xFFFFFFFF  }
0xba: {  	_ =	strace $0x90000048  }
0xbb: {  	_ =	sfence  }
0xbc: {  	s28 =	sld [smem:$0x0];
	_ =	sdelay $0x1  }
0xbd: {  	s29 =	srdreg.scid  }
0xbe: {  	s30 =	sshll.u32 s29, $0xD;
	s31 =	sshrl.u32 s29, $0x2  }
0xbf: {  	s1 =	sand.u32 $0x1, s29;
	s2 =	sand.u32 $0x4000, s30;
	s0 =	sadd.s32 s31, s28  }
0xc0: {  	s1 =	sor.u32 s2, s1;
	s0 =	sshll.u32 s0, $0x11  }
0xc1: {  	s0 =	sor.u32 s0, s1  }
0xc2: {  	s0 =	sadd.s32 $0x8F2B, s0  }
0xc3: {  	[sflag:s0] =	ssyncadd.remote.s32 $0x1  }
0xc4: {  	_ =	sfence.sel $0xFFFF  }
0xc5: {  	[dreg:$0x0] =	wrdreg $0xFFFFFFFF;
	(pc) =	sbr.abs _section_cstart, $3  }
0xc6: {  	[dreg:$0x1] =	wrdreg $0xFFFFFFFF  }
0xc7: {  	_ =	task.clear_ibuf [dreg:s7], $0x2FFFF;
	_ =	strace $0x9FFFFFFF  }
0xc8: {  	(tm) =	ssettm $0x7FFFFFFF  }
0xc9: {  	_ =	shalt  }
tec
execute0_lowered:
.L_overlay_start_1:
0x0: {  	(tag) =	ssettag $0x1  }
0x1: {  	s4 =	rddreg [dreg:$0x0]  }
0x2: {  	s5 =	rddreg [dreg:$0x1]  }
0x3: {  	s2 =	rddreg [dreg:$0x2];
	s7 =	simm.s32 $0x0;
	s1 =	stileid.u32  }
0x4: {  	[smem:$0x7FF] =	sst s7;
	s3 =	sshll.u32 s1, $0x7  }
0x5: {  	s0 =	rddreg [dreg:$0x3];
	_ =	strace $0x80000047;
	s4 =	sadd.s32 s4, s3  }
0x6: {  	[tilespmem:s7], [sflag:$0x1] =	stream.linear.gather [hbm4b:s4+s7], $0x400, $0x38;
	[tilespmem:$0xC00] =	vst v63  }
0x7: {  	s26 =	simm.s32 $0x1;
	s4 =	simm.s32 $0x400  }
0x8: {  	[tilespmem:s4], [sflag:$0x2] =	stream.linear.gather [hbm4b:s5+s7], $0x400, $0x38;
	[tilespmem:$0xC00] =	vst v63  }
0x9: {  	_ =	swait.ge [sflag:s26], $0x400  }
0xa: {  	[sflag:s26] =	ssyncset.done $0x0  }
0xb: {  	s28 =	simm.s32 $0x2;
	[sflag:s26] =	ssyncadd.s32 $0xFFFFFC00  }
0xc: {  	_ =	swait.ge [sflag:s28], $0x400  }
0xd: {  	[sflag:s28] =	ssyncset.done $0x0  }
0xe: {  	s29 =	simm.s32 $0x0;
	[sflag:s28] =	ssyncadd.s32 $0xFFFFFC00  }
0xf: {  	v0 =	vld [tilespmem:s29+$0x30];
	_ =	sdelay $0x4  }
0x10: {  	v4 =	vld [tilespmem:s29+$0x0]  }
0x11: {  	v5 =	vld [tilespmem:s29+$0x10]  }
0x12: {  	v6 =	vld [tilespmem:s29+$0x20]  }
0x13: {  	s8 =	simm.s32 $0x40;
	v7 =	vld.idx.msk [tilespmem:v0+s4+$0x0], $0xffff  }
0x14: {  	v0 =	vld [tilespmem:s8+$0x30];
	_ =	sdelay $0x1  }
0x15: {  	s6 =	simm.s32 $0x100;
	s10 =	simm.s32 $0x0;
	s11 =	simm.s32 $0x10;
	v3 =	vld [tilespmem:s8+$0x0]  }
0x16: {  	s12 =	simm.s32 $0x20;
	s9 =	sand.u32 $0xE00, s7;
	s10 =	sand.u32 $0x40, s10;
	v2 =	vld [tilespmem:s8+$0x20]  }
0x17: {  	s13 =	sand.u32 $0x50, s11;
	s9 =	sshrl.u32 s9, $0x2;
	s5 =	simm.s32 $0x30;
	v1 =	vld [tilespmem:s8+$0x10]  }
0x18: {  	s12 =	sand.u32 $0x60, s12;
	s30 =	sor.u32 $0x800, s9;
	s31 =	sand.u32 $0x70, s5;
	v4 =	vld.idx.msk [tilespmem:v4+s4+$0x0], $0xffff  }
0x19: {  	s11 =	sor.u32 s10, s30;
	s10 =	sor.u32 s13, s30;
	s9 =	sor.u32 s31, s30;
	v5 =	vld.idx.msk [tilespmem:v5+s4+$0x0], $0xffff  }
0x1a: {  	s7 =	simm.s32 $0x4;
	v6 =	vld.idx.msk [tilespmem:v6+s4+$0x0], $0xffff;
	s8 =	simm.s32 $0x200;
	[tilespmem:s9+$0x0] =	vst v7;
	s9 =	sor.u32 s12, s30  }
.LBB2_1:
0x1b: {  	s12 =	sshra.s32 s8, $0x2;
	s7 =	sadd.s32 $0x4, s7;
	v7 =	vld.idx.msk [tilespmem:v0+s4+$0x0], $0xffff;
	v8 =	vmov v2  }
0x1c: {  	v0 =	vld [tilespmem:s12+$0x30];
	p0 =	slt.u32 s7, $0x3C  }
0x1d: {  	s13 =	sand.u32 $0xE00, s6;
	s6 =	smov.u32 s8;
	s5 =	sadd.s32 $0x40, s5;
	v9 =	vld [tilespmem:s12+$0x0];
	[tilespmem:s11+$0x0] =	vst v4  }
0x1e: {  	s11 =	sshrl.u32 s13, $0x2;
	v10 =	vld [tilespmem:s12+$0x10];
	[tilespmem:s10+$0x0] =	vst v5;
	s10 =	sadd.s32 $0xFFFFFFD0, s5  }
.Ltmp0:
0x1f: {  	v2 =	vld [tilespmem:s12+$0x20];
	s12 =	sor.u32 $0x800, s11;
	s11 =	sand.u32 $0x70, s5;
	[tilespmem:s9+$0x0] =	vst v6;
	(pc) =	sbr.rel @p0 .LBB2_1-.Ltmp0, $4  }
0x20: {  	s13 =	sadd.s32 $0xFFFFFFF0, s5;
	s9 =	sadd.s32 $0xFFFFFFE0, s5;
	v4 =	vld.idx.msk [tilespmem:v3+s4+$0x0], $0xffff;
	s11 =	sor.u32 s11, s12  }
0x21: {  	s13 =	sand.u32 $0x60, s13;
	s10 =	sand.u32 $0x40, s10;
	s9 =	sand.u32 $0x50, s9;
	v5 =	vld.idx.msk [tilespmem:v1+s4+$0x0], $0xffff;
	[tilespmem:s11+$0x0] =	vst v7  }
0x22: {  	s11 =	sor.u32 s10, s12;
	s10 =	sor.u32 s9, s12;
	s9 =	sor.u32 s13, s12;
	v6 =	vld.idx.msk [tilespmem:v8+s4+$0x0], $0xffff;
	v3 =	vmov v9  }
0x23: {  	s8 =	sadd.s32 $0x100, s8;
	v1 =	vmov v10  }
0x24: {  	_ =	sdelay $0x3  }
0x25: {  	v0 =	vld.idx.msk [tilespmem:v0+s4+$0x0], $0xffff  }
0x26: {  	s6 =	sand.u32 $0xE00, s6;
	v3 =	vld.idx.msk [tilespmem:v3+s4+$0x0], $0xffff  }
0x27: {  	s5 =	sadd.s32 $0x40, s5;
	v1 =	vld.idx.msk [tilespmem:v1+s4+$0x0], $0xffff;
	[tilespmem:s11+$0x0] =	vst v4;
	s6 =	sshrl.u32 s6, $0x2  }
0x28: {  	v2 =	vld.idx.msk [tilespmem:v2+s4+$0x0], $0xffff;
	s7 =	sadd.s32 $0xFFFFFFD0, s5;
	s8 =	sand.u32 $0x70, s5;
	[tilespmem:s10+$0x0] =	vst v5;
	s6 =	sor.u32 $0x800, s6  }
0x29: {  	s28 =	sadd.s32 $0xFFFFFFE0, s5;
	s7 =	sand.u32 $0x40, s7;
	[tilespmem:s9+$0x0] =	vst v6;
	s8 =	sor.u32 s8, s6  }
0x2a: {  	s5 =	sadd.s32 $0xFFFFFFF0, s5;
	s4 =	sand.u32 $0x50, s28;
	s7 =	sor.u32 s7, s6;
	[tilespmem:s8+$0x0] =	vst v0  }
0x2b: {  	s5 =	sand.u32 $0x60, s5;
	s4 =	sor.u32 s4, s6;
	[tilespmem:s7+$0x0] =	vst v3  }
0x2c: {  	s2 =	sadd.s32 s2, s3;
	s5 =	sor.u32 s5, s6;
	[tilespmem:s4+$0x0] =	vst v1  }
0x2d: {  	s29 =	simm.s32 $0x0;
	s30 =	simm.s32 $0x800;
	s31 =	simm.s32 $0x3;
	[tilespmem:s5+$0x0] =	vst v2  }
0x2e: {  	[hbm4b:s2+s29] =	stream.linear.scatter [tilespmem:s30], [sflag:$0x3], $0x400, $0x38;
	[tilespmem:$0xC00] =	vst v63  }
0x2f: {  	_ =	swait.ge [sflag:s31], $0x400  }
0x30: {  	[sflag:s31] =	ssyncset.done $0x0  }
0x31: {  	[sflag:s31] =	ssyncadd.s32 $0xFFFFFC00  }
0x32: {  	_ =	sfence.sel $0x180000  }
0x33: {  	[bflag:$0x0] =	sbarrier.arrive $0xFFFF  }
0x34: {  	p0 =	sne.s32 s1, $0x0;
	_ =	strace $0x90000047  }
0x35: {  	s0 =	sadd.s32 @!p0 $0x100000, s0;
	[bflag:$0x2] =	sbarrier.arrive $0xFFFF  }
0x36: {  	[sflag:s0] =	ssyncadd.tile.s32 @!p0 $0x1;
	_ =	shalt  }
.Lfunc_end2:
_tile_overlayer_lowered:
.L_overlay_start_2:
0x37: {  	(tag) =	ssettag $0x2  }
0x38: {  	s0 =	rddreg [dreg:$0x0];
	s2 =	stileid.u32  }
0x39: {  	s1 =	rddreg [dreg:$0x1];
	p0 =	sne.s32 s2, $0x0  }
0x3a: {  	s3 =	rddreg [dreg:$0x2];
	[bflag:$0x3] =	sbarrier.arrive $0xFFFF;
	s2 =	simm.s32 @!p0 $0x1C03  }
0x3b: {  	[timem:s3], [sflag:s2] =	dma.local @!p0 [hbm:s0], s1  }
0x3c: {  	s0 =	simm.s32 @!p0 $0x3  }
0x3d: {  	_ =	swait.ge @!p0 [sflag:s0], s1  }
0x3e: {  	s1 =	ssub.s32 @!p0 $0x0, s1;
	[sflag:s0] =	ssyncset.done @!p0 $0x0  }
0x3f: {  	[sflag:s0] =	ssyncadd.s32 @!p0 s1  }
0x40: {  	[bflag:$0x3] =	sbarrier.arrive $0xFFFF  }
0x41: {  	_ =	shalt  }

</sc_bundles>
